<compile_context>
chip_gen: v7x
topology: tpu7x:2x2x1
jax: 0.10.2.dev20260603
libtpu: 0.0.44.dev20260713+nightly
codegen_flags: <defaults>
</compile_context>

<pallas_src>
import functools

import jax
import jax.numpy as jnp
from jax import lax
from jax.experimental import pallas as pl
from jax.experimental.pallas import tpu as pltpu
from jax.experimental.pallas import tpu_sc as plsc

_VOCAB = 1000000
_HIDDEN = 64
_B = 4096
_L = 200
_N = _B * _L
_NW = 32
_PER_W = _N // _NW
_G = 128
_NG = _PER_W // _G
_K = 4
_NH = _NG // _K


def _gather_body(idx_hbm, table_hbm, out_hbm, idx_v, rows_v, gsem, wsem):
    wid = lax.axis_index("s") * 2 + lax.axis_index("c")
    pltpu.sync_copy(idx_hbm.at[pl.ds(wid * _NG, _NG)], idx_v)
    grp_base = wid * _NG

    def outer(j2, carry):
        for jj in range(2):
            j = j2 * 2 + jj
            b0 = jj * _K
            half = rows_v.at[pl.ds(b0, _K)]

            @pl.when(j2 > 0)
            def _drain_prev_write():
                pltpu.make_async_copy(
                    half,
                    out_hbm.at[pl.ds(grp_base, _K), :, pl.ds(0, _HIDDEN)],
                    wsem,
                ).wait()

            for b in range(_K):
                g = j * _K + b
                pltpu.async_copy(
                    table_hbm.at[idx_v.at[g]], rows_v.at[b0 + b], gsem
                )
            for b in range(_K):
                pltpu.make_async_copy(
                    table_hbm.at[idx_v.at[0]], rows_v.at[b0], gsem
                ).wait()
            pltpu.async_copy(
                half,
                out_hbm.at[pl.ds(grp_base + j * _K, _K), :, pl.ds(0, _HIDDEN)],
                wsem,
            )
        return carry

    lax.fori_loop(0, _NH // 2, outer, 0)
    for jj in range(2):
        pltpu.make_async_copy(
            rows_v.at[pl.ds(jj * _K, _K)],
            out_hbm.at[pl.ds(grp_base, _K), :, pl.ds(0, _HIDDEN)],
            wsem,
        ).wait()


@jax.jit
def _run(ids, table):
    mesh = plsc.VectorSubcoreMesh(core_axis_name="c", subcore_axis_name="s")

    idx = ids.reshape(-1).astype(jnp.int32).reshape(_N // _G, _G)
    gather = functools.partial(
        pl.kernel,
        mesh=mesh,
        out_type=jax.ShapeDtypeStruct((_N // _G, _G, 2 * _HIDDEN), jnp.float32),
        scratch_types=[
            pltpu.VMEM((_NG, _G), jnp.int32),
            pltpu.VMEM((2 * _K, _G, _HIDDEN), jnp.float32),
            pltpu.SemaphoreType.DMA,
            pltpu.SemaphoreType.DMA,
        ],
        compiler_params=pltpu.CompilerParams(use_tc_tiling_on_sc=False),
    )(_gather_body)
    return gather(idx, table)


def kernel(input_ids, attention_mask, embedding_weight):
    del attention_mask
    out = _run(input_ids, embedding_weight)
    return out[:, :, :_HIDDEN].reshape(_B, _L, _HIDDEN)

# --- scband reference (transcript-rebuilt; emitter-appended) ---
"""Pipeline reference for scband-dummy-text-encoder-52364241273132 (READ-ONLY COPY).

The authoritative reference and input builder live on the scoring server;
editing this copy changes nothing except your own understanding.
"""

import jax, jax.numpy as jnp
import numpy as np

VOCAB = 1000000
HIDDEN = 64
B = 4096
L = 200

def setup_inputs(seed: int = 0) -> dict:
    key = jax.random.key(seed)
    k_ids, k_tab = jax.random.split(key)
    input_ids = jax.random.randint(k_ids, (B, L), 0, VOCAB, dtype=jnp.int64 if jax.config.jax_enable_x64 else jnp.int32)
    attention_mask = jnp.ones((B, L), dtype=input_ids.dtype)
    # Embedding table (learned parameter); torch default init N(0,1)
    embedding_weight = jax.random.normal(k_tab, (VOCAB, HIDDEN), dtype=jnp.float32)
    return {"input_ids": input_ids, "attention_mask": attention_mask, "embedding_weight": embedding_weight}

def reference(input_ids, attention_mask, embedding_weight):
    # attention_mask is deliberately unused, matching the torch module (del attention_mask)
    hidden = jnp.take(embedding_weight, input_ids, axis=0)
    # last_hidden_state of the dummy encoder output
    return hidden

if __name__ == "__main__":
    import jax
    _d = setup_inputs()
    print(jax.jit(kernel)(*tuple(_d.values())))

</pallas_src>

<mosaic_0001>
#map = affine_map<(d0, d1) -> (0, 0)>
#map1 = affine_map<(d0, d1) -> (0, 0, 0)>
module attributes {stable_mosaic.version = 14 : i64} {
  func.func @_gather_body(%arg0: i32, %arg1: i32, %arg2: memref<6400x128xi32, #tpu.memory_space<hbm>>, %arg3: memref<1000000x64xf32, #tpu.memory_space<hbm>>, %arg4: memref<6400x128x128xf32, #tpu.memory_space<hbm>>, %arg5: memref<200x128xi32, #tpu.memory_space<vmem>>, %arg6: memref<8x128x64xf32, #tpu.memory_space<vmem>>, %arg7: memref<!tpu.dma_semaphore, #tpu.memory_space<semaphore_mem>>, %arg8: memref<!tpu.dma_semaphore, #tpu.memory_space<semaphore_mem>>) attributes {dimension_semantics = [#tpu.dimension_semantics<core_parallel>, #tpu.dimension_semantics<subcore_parallel>], iteration_bounds = array<i64: 2, 16>, scalar_prefetch = 0 : i64, scratch_operands = 4 : i64, tpu.core_type = #tpu.core_type<sc_vector_subcore>, window_params = [{transform_indices = #map}, {transform_indices = #map}, {transform_indices = #map1}]} {
    %mul3A = arith.constant 2 : i32
    %mul3A_0 = arith.muli %arg1, %mul3A : i32
    %add3A = arith.addi %mul3A_0, %arg0 : i32
    %mul3A_1 = arith.constant 200 : i32
    %mul3A_2 = arith.muli %add3A, %mul3A_1 : i32
    "tpu.region"() ({
      %run_scoped3A = tpu.sem_alloc : memref<!tpu.dma_semaphore, #tpu.memory_space<semaphore_mem>>
      %dma_start3A = arith.constant 0 : i32
      %dma_start3A_37 = tpu.memref_slice %arg2[%mul3A_2, %dma_start3A] : memref<6400x128xi32, #tpu.memory_space<hbm>> -> memref<200x128xi32, #tpu.memory_space<hbm>>
      %dma_start3A_38 = arith.constant 0 : i32
      %dma_start3A_39 = tpu.memref_slice %arg2[%mul3A_2, %dma_start3A_38] : memref<6400x128xi32, #tpu.memory_space<hbm>> -> memref<200x128xi32, #tpu.memory_space<hbm>>
      tpu.enqueue_dma source(%dma_start3A_39 : memref<200x128xi32, #tpu.memory_space<hbm>>) target(%arg5 : memref<200x128xi32, #tpu.memory_space<vmem>>) target_semaphore(%run_scoped3A : memref<!tpu.dma_semaphore, #tpu.memory_space<semaphore_mem>>)
      %dma_wait3A_40 = arith.constant 0 : i32
      %dma_wait3A_41 = tpu.memref_slice %arg2[%mul3A_2, %dma_wait3A_40] : memref<6400x128xi32, #tpu.memory_space<hbm>> -> memref<200x128xi32, #tpu.memory_space<hbm>>
      %dma_wait3A_42 = arith.constant 0 : i32
      %dma_wait3A_43 = tpu.memref_slice %arg2[%mul3A_2, %dma_wait3A_42] : memref<6400x128xi32, #tpu.memory_space<hbm>> -> memref<200x128xi32, #tpu.memory_space<hbm>>
      tpu.wait_dma2 semaphore(%run_scoped3A : memref<!tpu.dma_semaphore, #tpu.memory_space<semaphore_mem>>) src(%dma_wait3A_43 : memref<200x128xi32, #tpu.memory_space<hbm>>) dst(%arg5 : memref<200x128xi32, #tpu.memory_space<vmem>>)
      tpu.yield
    }) : () -> ()
    %mul3A_3 = arith.constant 200 : i32
    %mul3A_4 = arith.muli %add3A, %mul3A_3 : i32
    %scan3A = arith.constant 0 : i32
    %scan3A_5 = arith.constant 0 : i32
    %scan3A_6 = arith.constant 25 : i32
    %scan3A_7 = arith.addi %scan3A_5, %scan3A_6 : i32
    %scan3A_8 = arith.constant 1 : i32
    scf.for %scan3A_37 = %scan3A_5 to %scan3A_7 step %scan3A_8  : i32 {
      %mul3A_38 = arith.constant 2 : i32
      %mul3A_39 = arith.muli %scan3A_37, %mul3A_38 : i32
      %add3A_40 = arith.constant 0 : i32
      %add3A_41 = arith.addi %mul3A_39, %add3A_40 : i32
      %gt3A = arith.constant 0 : i32
      %gt3A_42 = arith.cmpi sgt, %scan3A_37, %gt3A : i32
      %convert_element_type3A = arith.extui %gt3A_42 : i1 to i32
      %cond3A = arith.constant 0 : i32
      %cond3A_43 = arith.cmpi ne, %convert_element_type3A, %cond3A : i32
      scf.if %cond3A_43 {
        %dma_wait3A_302 = arith.constant 0 : i32
        %dma_wait3A_303 = arith.constant 0 : i32
        %dma_wait3A_304 = arith.constant 0 : i32
        %dma_wait3A_305 = tpu.memref_slice %arg6[%dma_wait3A_302, %dma_wait3A_303, %dma_wait3A_304] : memref<8x128x64xf32, #tpu.memory_space<vmem>> -> memref<4x128x64xf32, #tpu.memory_space<vmem>>
        %dma_wait3A_306 = arith.constant 0 : i32
        %dma_wait3A_307 = arith.constant 0 : i32
        %dma_wait3A_308 = tpu.memref_slice %arg4[%mul3A_4, %dma_wait3A_306, %dma_wait3A_307] : memref<6400x128x128xf32, #tpu.memory_space<hbm>> -> memref<4x128x64xf32, #tpu.memory_space<hbm>>
        %dma_wait3A_309 = arith.constant 0 : i32
        %dma_wait3A_310 = arith.constant 0 : i32
        %dma_wait3A_311 = tpu.memref_slice %arg4[%mul3A_4, %dma_wait3A_309, %dma_wait3A_310] : memref<6400x128x128xf32, #tpu.memory_space<hbm>> -> memref<4x128x64xf32, #tpu.memory_space<hbm>>
        %dma_wait3A_312 = arith.constant 0 : i32
        %dma_wait3A_313 = arith.constant 0 : i32
        %dma_wait3A_314 = arith.constant 0 : i32
        %dma_wait3A_315 = tpu.memref_slice %arg6[%dma_wait3A_312, %dma_wait3A_313, %dma_wait3A_314] : memref<8x128x64xf32, #tpu.memory_space<vmem>> -> memref<4x128x64xf32, #tpu.memory_space<vmem>>
        tpu.wait_dma2 semaphore(%arg8 : memref<!tpu.dma_semaphore, #tpu.memory_space<semaphore_mem>>) src(%dma_wait3A_315 : memref<4x128x64xf32, #tpu.memory_space<vmem>>) dst(%dma_wait3A_311 : memref<4x128x64xf32, #tpu.memory_space<hbm>>)
      } else {
      }
      %mul3A_44 = arith.constant 4 : i32
      %mul3A_45 = arith.muli %add3A_41, %mul3A_44 : i32
      %add3A_46 = arith.constant 0 : i32
      %add3A_47 = arith.addi %mul3A_45, %add3A_46 : i32
      %dma_start3A = arith.constant 0 : i32
      %dma_start3A_48 = arith.constant 0 : i32
      %dma_start3A_49 = arith.constant 0 : i32
      %dma_start3A_50 = tpu.memref_slice %arg6[%dma_start3A, %dma_start3A_48, %dma_start3A_49] : memref<8x128x64xf32, #tpu.memory_space<vmem>> -> memref<1x128x64xf32, #tpu.memory_space<vmem>>
      %dma_start3A_51 = tpu.memref_squeeze %dma_start3A_50 : memref<1x128x64xf32, #tpu.memory_space<vmem>> -> memref<128x64xf32, #tpu.memory_space<vmem>>
      %dma_start3A_52 = arith.constant 0 : i32
      %dma_start3A_53 = tpu.memref_slice %arg5[%add3A_47, %dma_start3A_52] : memref<200x128xi32, #tpu.memory_space<vmem>> -> memref<1x128xi32, #tpu.memory_space<vmem>>
      %dma_start3A_54 = tpu.memref_squeeze %dma_start3A_53 : memref<1x128xi32, #tpu.memory_space<vmem>> -> memref<128xi32, #tpu.memory_space<vmem>>
      %dma_start3A_55 = arith.constant 0 : i32
      %dma_start3A_56 = arith.constant 0 : i32
      %dma_start3A_57 = tpu.memref_slice %arg3[%dma_start3A_55, %dma_start3A_56] : memref<1000000x64xf32, #tpu.memory_space<hbm>> -> memref<1000000x64xf32, #tpu.memory_space<hbm>>
      tpu.enqueue_indirect_dma source(%dma_start3A_57 : memref<1000000x64xf32, #tpu.memory_space<hbm>>) target(%dma_start3A_51 : memref<128x64xf32, #tpu.memory_space<vmem>>) offsets(%dma_start3A_54 : memref<128xi32, #tpu.memory_space<vmem>>) semaphore(%arg7 : memref<!tpu.dma_semaphore, #tpu.memory_space<semaphore_mem>>)
      %mul3A_58 = arith.constant 4 : i32
      %mul3A_59 = arith.muli %add3A_41, %mul3A_58 : i32
      %add3A_60 = arith.constant 1 : i32
      %add3A_61 = arith.addi %mul3A_59, %add3A_60 : i32
      %dma_start3A_62 = arith.constant 1 : i32
      %dma_start3A_63 = arith.constant 0 : i32
      %dma_start3A_64 = arith.constant 0 : i32
      %dma_start3A_65 = tpu.memref_slice %arg6[%dma_start3A_62, %dma_start3A_63, %dma_start3A_64] : memref<8x128x64xf32, #tpu.memory_space<vmem>> -> memref<1x128x64xf32, #tpu.memory_space<vmem>>
      %dma_start3A_66 = tpu.memref_squeeze %dma_start3A_65 : memref<1x128x64xf32, #tpu.memory_space<vmem>> -> memref<128x64xf32, #tpu.memory_space<vmem>>
      %dma_start3A_67 = arith.constant 0 : i32
      %dma_start3A_68 = tpu.memref_slice %arg5[%add3A_61, %dma_start3A_67] : memref<200x128xi32, #tpu.memory_space<vmem>> -> memref<1x128xi32, #tpu.memory_space<vmem>>
      %dma_start3A_69 = tpu.memref_squeeze %dma_start3A_68 : memref<1x128xi32, #tpu.memory_space<vmem>> -> memref<128xi32, #tpu.memory_space<vmem>>
      %dma_start3A_70 = arith.constant 0 : i32
      %dma_start3A_71 = arith.constant 0 : i32
      %dma_start3A_72 = tpu.memref_slice %arg3[%dma_start3A_70, %dma_start3A_71] : memref<1000000x64xf32, #tpu.memory_space<hbm>> -> memref<1000000x64xf32, #tpu.memory_space<hbm>>
      tpu.enqueue_indirect_dma source(%dma_start3A_72 : memref<1000000x64xf32, #tpu.memory_space<hbm>>) target(%dma_start3A_66 : memref<128x64xf32, #tpu.memory_space<vmem>>) offsets(%dma_start3A_69 : memref<128xi32, #tpu.memory_space<vmem>>) semaphore(%arg7 : memref<!tpu.dma_semaphore, #tpu.memory_space<semaphore_mem>>)
      %mul3A_73 = arith.constant 4 : i32
      %mul3A_74 = arith.muli %add3A_41, %mul3A_73 : i32
      %add3A_75 = arith.constant 2 : i32
      %add3A_76 = arith.addi %mul3A_74, %add3A_75 : i32
      %dma_start3A_77 = arith.constant 2 : i32
      %dma_start3A_78 = arith.constant 0 : i32
      %dma_start3A_79 = arith.constant 0 : i32
      %dma_start3A_80 = tpu.memref_slice %arg6[%dma_start3A_77, %dma_start3A_78, %dma_start3A_79] : memref<8x128x64xf32, #tpu.memory_space<vmem>> -> memref<1x128x64xf32, #tpu.memory_space<vmem>>
      %dma_start3A_81 = tpu.memref_squeeze %dma_start3A_80 : memref<1x128x64xf32, #tpu.memory_space<vmem>> -> memref<128x64xf32, #tpu.memory_space<vmem>>
      %dma_start3A_82 = arith.constant 0 : i32
      %dma_start3A_83 = tpu.memref_slice %arg5[%add3A_76, %dma_start3A_82] : memref<200x128xi32, #tpu.memory_space<vmem>> -> memref<1x128xi32, #tpu.memory_space<vmem>>
      %dma_start3A_84 = tpu.memref_squeeze %dma_start3A_83 : memref<1x128xi32, #tpu.memory_space<vmem>> -> memref<128xi32, #tpu.memory_space<vmem>>
      %dma_start3A_85 = arith.constant 0 : i32
      %dma_start3A_86 = arith.constant 0 : i32
      %dma_start3A_87 = tpu.memref_slice %arg3[%dma_start3A_85, %dma_start3A_86] : memref<1000000x64xf32, #tpu.memory_space<hbm>> -> memref<1000000x64xf32, #tpu.memory_space<hbm>>
      tpu.enqueue_indirect_dma source(%dma_start3A_87 : memref<1000000x64xf32, #tpu.memory_space<hbm>>) target(%dma_start3A_81 : memref<128x64xf32, #tpu.memory_space<vmem>>) offsets(%dma_start3A_84 : memref<128xi32, #tpu.memory_space<vmem>>) semaphore(%arg7 : memref<!tpu.dma_semaphore, #tpu.memory_space<semaphore_mem>>)
      %mul3A_88 = arith.constant 4 : i32
      %mul3A_89 = arith.muli %add3A_41, %mul3A_88 : i32
      %add3A_90 = arith.constant 3 : i32
      %add3A_91 = arith.addi %mul3A_89, %add3A_90 : i32
      %dma_start3A_92 = arith.constant 3 : i32
      %dma_start3A_93 = arith.constant 0 : i32
      %dma_start3A_94 = arith.constant 0 : i32
      %dma_start3A_95 = tpu.memref_slice %arg6[%dma_start3A_92, %dma_start3A_93, %dma_start3A_94] : memref<8x128x64xf32, #tpu.memory_space<vmem>> -> memref<1x128x64xf32, #tpu.memory_space<vmem>>
      %dma_start3A_96 = tpu.memref_squeeze %dma_start3A_95 : memref<1x128x64xf32, #tpu.memory_space<vmem>> -> memref<128x64xf32, #tpu.memory_space<vmem>>
      %dma_start3A_97 = arith.constant 0 : i32
      %dma_start3A_98 = tpu.memref_slice %arg5[%add3A_91, %dma_start3A_97] : memref<200x128xi32, #tpu.memory_space<vmem>> -> memref<1x128xi32, #tpu.memory_space<vmem>>
      %dma_start3A_99 = tpu.memref_squeeze %dma_start3A_98 : memref<1x128xi32, #tpu.memory_space<vmem>> -> memref<128xi32, #tpu.memory_space<vmem>>
      %dma_start3A_100 = arith.constant 0 : i32
      %dma_start3A_101 = arith.constant 0 : i32
      %dma_start3A_102 = tpu.memref_slice %arg3[%dma_start3A_100, %dma_start3A_101] : memref<1000000x64xf32, #tpu.memory_space<hbm>> -> memref<1000000x64xf32, #tpu.memory_space<hbm>>
      tpu.enqueue_indirect_dma source(%dma_start3A_102 : memref<1000000x64xf32, #tpu.memory_space<hbm>>) target(%dma_start3A_96 : memref<128x64xf32, #tpu.memory_space<vmem>>) offsets(%dma_start3A_99 : memref<128xi32, #tpu.memory_space<vmem>>) semaphore(%arg7 : memref<!tpu.dma_semaphore, #tpu.memory_space<semaphore_mem>>)
      %dma_wait3A_103 = arith.constant 0 : i32
      %dma_wait3A_104 = arith.constant 0 : i32
      %dma_wait3A_105 = arith.constant 0 : i32
      %dma_wait3A_106 = arith.constant 0 : i32
      %dma_wait3A_107 = tpu.memref_slice %arg6[%dma_wait3A_104, %dma_wait3A_105, %dma_wait3A_106] : memref<8x128x64xf32, #tpu.memory_space<vmem>> -> memref<1x128x64xf32, #tpu.memory_space<vmem>>
      %dma_wait3A_108 = tpu.memref_squeeze %dma_wait3A_107 : memref<1x128x64xf32, #tpu.memory_space<vmem>> -> memref<128x64xf32, #tpu.memory_space<vmem>>
      %dma_wait3A_109 = arith.constant 0 : i32
      %dma_wait3A_110 = tpu.memref_slice %arg5[%dma_wait3A_103, %dma_wait3A_109] : memref<200x128xi32, #tpu.memory_space<vmem>> -> memref<1x128xi32, #tpu.memory_space<vmem>>
      %dma_wait3A_111 = tpu.memref_squeeze %dma_wait3A_110 : memref<1x128xi32, #tpu.memory_space<vmem>> -> memref<128xi32, #tpu.memory_space<vmem>>
      %dma_wait3A_112 = arith.constant 0 : i32
      %dma_wait3A_113 = arith.constant 0 : i32
      %dma_wait3A_114 = tpu.memref_slice %arg3[%dma_wait3A_112, %dma_wait3A_113] : memref<1000000x64xf32, #tpu.memory_space<hbm>> -> memref<1000000x64xf32, #tpu.memory_space<hbm>>
      tpu.wait_indirect_dma semaphore(%arg7 : memref<!tpu.dma_semaphore, #tpu.memory_space<semaphore_mem>>) src(%dma_wait3A_114 : memref<1000000x64xf32, #tpu.memory_space<hbm>>) dst(%dma_wait3A_108 : memref<128x64xf32, #tpu.memory_space<vmem>>)
      %dma_wait3A_115 = arith.constant 0 : i32
      %dma_wait3A_116 = arith.constant 0 : i32
      %dma_wait3A_117 = arith.constant 0 : i32
      %dma_wait3A_118 = arith.constant 0 : i32
      %dma_wait3A_119 = tpu.memref_slice %arg6[%dma_wait3A_116, %dma_wait3A_117, %dma_wait3A_118] : memref<8x128x64xf32, #tpu.memory_space<vmem>> -> memref<1x128x64xf32, #tpu.memory_space<vmem>>
      %dma_wait3A_120 = tpu.memref_squeeze %dma_wait3A_119 : memref<1x128x64xf32, #tpu.memory_space<vmem>> -> memref<128x64xf32, #tpu.memory_space<vmem>>
      %dma_wait3A_121 = arith.constant 0 : i32
      %dma_wait3A_122 = tpu.memref_slice %arg5[%dma_wait3A_115, %dma_wait3A_121] : memref<200x128xi32, #tpu.memory_space<vmem>> -> memref<1x128xi32, #tpu.memory_space<vmem>>
      %dma_wait3A_123 = tpu.memref_squeeze %dma_wait3A_122 : memref<1x128xi32, #tpu.memory_space<vmem>> -> memref<128xi32, #tpu.memory_space<vmem>>
      %dma_wait3A_124 = arith.constant 0 : i32
      %dma_wait3A_125 = arith.constant 0 : i32
      %dma_wait3A_126 = tpu.memref_slice %arg3[%dma_wait3A_124, %dma_wait3A_125] : memref<1000000x64xf32, #tpu.memory_space<hbm>> -> memref<1000000x64xf32, #tpu.memory_space<hbm>>
      tpu.wait_indirect_dma semaphore(%arg7 : memref<!tpu.dma_semaphore, #tpu.memory_space<semaphore_mem>>) src(%dma_wait3A_126 : memref<1000000x64xf32, #tpu.memory_space<hbm>>) dst(%dma_wait3A_120 : memref<128x64xf32, #tpu.memory_space<vmem>>)
      %dma_wait3A_127 = arith.constant 0 : i32
      %dma_wait3A_128 = arith.constant 0 : i32
      %dma_wait3A_129 = arith.constant 0 : i32
      %dma_wait3A_130 = arith.constant 0 : i32
      %dma_wait3A_131 = tpu.memref_slice %arg6[%dma_wait3A_128, %dma_wait3A_129, %dma_wait3A_130] : memref<8x128x64xf32, #tpu.memory_space<vmem>> -> memref<1x128x64xf32, #tpu.memory_space<vmem>>
      %dma_wait3A_132 = tpu.memref_squeeze %dma_wait3A_131 : memref<1x128x64xf32, #tpu.memory_space<vmem>> -> memref<128x64xf32, #tpu.memory_space<vmem>>
      %dma_wait3A_133 = arith.constant 0 : i32
      %dma_wait3A_134 = tpu.memref_slice %arg5[%dma_wait3A_127, %dma_wait3A_133] : memref<200x128xi32, #tpu.memory_space<vmem>> -> memref<1x128xi32, #tpu.memory_space<vmem>>
      %dma_wait3A_135 = tpu.memref_squeeze %dma_wait3A_134 : memref<1x128xi32, #tpu.memory_space<vmem>> -> memref<128xi32, #tpu.memory_space<vmem>>
      %dma_wait3A_136 = arith.constant 0 : i32
      %dma_wait3A_137 = arith.constant 0 : i32
      %dma_wait3A_138 = tpu.memref_slice %arg3[%dma_wait3A_136, %dma_wait3A_137] : memref<1000000x64xf32, #tpu.memory_space<hbm>> -> memref<1000000x64xf32, #tpu.memory_space<hbm>>
      tpu.wait_indirect_dma semaphore(%arg7 : memref<!tpu.dma_semaphore, #tpu.memory_space<semaphore_mem>>) src(%dma_wait3A_138 : memref<1000000x64xf32, #tpu.memory_space<hbm>>) dst(%dma_wait3A_132 : memref<128x64xf32, #tpu.memory_space<vmem>>)
      %dma_wait3A_139 = arith.constant 0 : i32
      %dma_wait3A_140 = arith.constant 0 : i32
      %dma_wait3A_141 = arith.constant 0 : i32
      %dma_wait3A_142 = arith.constant 0 : i32
      %dma_wait3A_143 = tpu.memref_slice %arg6[%dma_wait3A_140, %dma_wait3A_141, %dma_wait3A_142] : memref<8x128x64xf32, #tpu.memory_space<vmem>> -> memref<1x128x64xf32, #tpu.memory_space<vmem>>
      %dma_wait3A_144 = tpu.memref_squeeze %dma_wait3A_143 : memref<1x128x64xf32, #tpu.memory_space<vmem>> -> memref<128x64xf32, #tpu.memory_space<vmem>>
      %dma_wait3A_145 = arith.constant 0 : i32
      %dma_wait3A_146 = tpu.memref_slice %arg5[%dma_wait3A_139, %dma_wait3A_145] : memref<200x128xi32, #tpu.memory_space<vmem>> -> memref<1x128xi32, #tpu.memory_space<vmem>>
      %dma_wait3A_147 = tpu.memref_squeeze %dma_wait3A_146 : memref<1x128xi32, #tpu.memory_space<vmem>> -> memref<128xi32, #tpu.memory_space<vmem>>
      %dma_wait3A_148 = arith.constant 0 : i32
      %dma_wait3A_149 = arith.constant 0 : i32
      %dma_wait3A_150 = tpu.memref_slice %arg3[%dma_wait3A_148, %dma_wait3A_149] : memref<1000000x64xf32, #tpu.memory_space<hbm>> -> memref<1000000x64xf32, #tpu.memory_space<hbm>>
      tpu.wait_indirect_dma semaphore(%arg7 : memref<!tpu.dma_semaphore, #tpu.memory_space<semaphore_mem>>) src(%dma_wait3A_150 : memref<1000000x64xf32, #tpu.memory_space<hbm>>) dst(%dma_wait3A_144 : memref<128x64xf32, #tpu.memory_space<vmem>>)
      %mul3A_151 = arith.constant 4 : i32
      %mul3A_152 = arith.muli %add3A_41, %mul3A_151 : i32
      %add3A_153 = arith.addi %mul3A_4, %mul3A_152 : i32
      %dma_start3A_154 = arith.constant 0 : i32
      %dma_start3A_155 = arith.constant 0 : i32
      %dma_start3A_156 = arith.constant 0 : i32
      %dma_start3A_157 = tpu.memref_slice %arg6[%dma_start3A_154, %dma_start3A_155, %dma_start3A_156] : memref<8x128x64xf32, #tpu.memory_space<vmem>> -> memref<4x128x64xf32, #tpu.memory_space<vmem>>
      %dma_start3A_158 = arith.constant 0 : i32
      %dma_start3A_159 = arith.constant 0 : i32
      %dma_start3A_160 = tpu.memref_slice %arg4[%add3A_153, %dma_start3A_158, %dma_start3A_159] : memref<6400x128x128xf32, #tpu.memory_space<hbm>> -> memref<4x128x64xf32, #tpu.memory_space<hbm>>
      %dma_start3A_161 = arith.constant 0 : i32
      %dma_start3A_162 = arith.constant 0 : i32
      %dma_start3A_163 = tpu.memref_slice %arg4[%add3A_153, %dma_start3A_161, %dma_start3A_162] : memref<6400x128x128xf32, #tpu.memory_space<hbm>> -> memref<4x128x64xf32, #tpu.memory_space<hbm>>
      %dma_start3A_164 = arith.constant 0 : i32
      %dma_start3A_165 = arith.constant 0 : i32
      %dma_start3A_166 = arith.constant 0 : i32
      %dma_start3A_167 = tpu.memref_slice %arg6[%dma_start3A_164, %dma_start3A_165, %dma_start3A_166] : memref<8x128x64xf32, #tpu.memory_space<vmem>> -> memref<4x128x64xf32, #tpu.memory_space<vmem>>
      tpu.enqueue_dma source(%dma_start3A_167 : memref<4x128x64xf32, #tpu.memory_space<vmem>>) target(%dma_start3A_163 : memref<4x128x64xf32, #tpu.memory_space<hbm>>) target_semaphore(%arg8 : memref<!tpu.dma_semaphore, #tpu.memory_space<semaphore_mem>>)
      %mul3A_168 = arith.constant 2 : i32
      %mul3A_169 = arith.muli %scan3A_37, %mul3A_168 : i32
      %add3A_170 = arith.constant 1 : i32
      %add3A_171 = arith.addi %mul3A_169, %add3A_170 : i32
      %gt3A_172 = arith.constant 0 : i32
      %gt3A_173 = arith.cmpi sgt, %scan3A_37, %gt3A_172 : i32
      %convert_element_type3A_174 = arith.extui %gt3A_173 : i1 to i32
      %cond3A_175 = arith.constant 0 : i32
      %cond3A_176 = arith.cmpi ne, %convert_element_type3A_174, %cond3A_175 : i32
      scf.if %cond3A_176 {
        %dma_wait3A_302 = arith.constant 4 : i32
        %dma_wait3A_303 = arith.constant 0 : i32
        %dma_wait3A_304 = arith.constant 0 : i32
        %dma_wait3A_305 = tpu.memref_slice %arg6[%dma_wait3A_302, %dma_wait3A_303, %dma_wait3A_304] : memref<8x128x64xf32, #tpu.memory_space<vmem>> -> memref<4x128x64xf32, #tpu.memory_space<vmem>>
        %dma_wait3A_306 = arith.constant 0 : i32
        %dma_wait3A_307 = arith.constant 0 : i32
        %dma_wait3A_308 = tpu.memref_slice %arg4[%mul3A_4, %dma_wait3A_306, %dma_wait3A_307] : memref<6400x128x128xf32, #tpu.memory_space<hbm>> -> memref<4x128x64xf32, #tpu.memory_space<hbm>>
        %dma_wait3A_309 = arith.constant 0 : i32
        %dma_wait3A_310 = arith.constant 0 : i32
        %dma_wait3A_311 = tpu.memref_slice %arg4[%mul3A_4, %dma_wait3A_309, %dma_wait3A_310] : memref<6400x128x128xf32, #tpu.memory_space<hbm>> -> memref<4x128x64xf32, #tpu.memory_space<hbm>>
        %dma_wait3A_312 = arith.constant 4 : i32
        %dma_wait3A_313 = arith.constant 0 : i32
        %dma_wait3A_314 = arith.constant 0 : i32
        %dma_wait3A_315 = tpu.memref_slice %arg6[%dma_wait3A_312, %dma_wait3A_313, %dma_wait3A_314] : memref<8x128x64xf32, #tpu.memory_space<vmem>> -> memref<4x128x64xf32, #tpu.memory_space<vmem>>
        tpu.wait_dma2 semaphore(%arg8 : memref<!tpu.dma_semaphore, #tpu.memory_space<semaphore_mem>>) src(%dma_wait3A_315 : memref<4x128x64xf32, #tpu.memory_space<vmem>>) dst(%dma_wait3A_311 : memref<4x128x64xf32, #tpu.memory_space<hbm>>)
      } else {
      }
      %mul3A_177 = arith.constant 4 : i32
      %mul3A_178 = arith.muli %add3A_171, %mul3A_177 : i32
      %add3A_179 = arith.constant 0 : i32
      %add3A_180 = arith.addi %mul3A_178, %add3A_179 : i32
      %dma_start3A_181 = arith.constant 4 : i32
      %dma_start3A_182 = arith.constant 0 : i32
      %dma_start3A_183 = arith.constant 0 : i32
      %dma_start3A_184 = tpu.memref_slice %arg6[%dma_start3A_181, %dma_start3A_182, %dma_start3A_183] : memref<8x128x64xf32, #tpu.memory_space<vmem>> -> memref<1x128x64xf32, #tpu.memory_space<vmem>>
      %dma_start3A_185 = tpu.memref_squeeze %dma_start3A_184 : memref<1x128x64xf32, #tpu.memory_space<vmem>> -> memref<128x64xf32, #tpu.memory_space<vmem>>
      %dma_start3A_186 = arith.constant 0 : i32
      %dma_start3A_187 = tpu.memref_slice %arg5[%add3A_180, %dma_start3A_186] : memref<200x128xi32, #tpu.memory_space<vmem>> -> memref<1x128xi32, #tpu.memory_space<vmem>>
      %dma_start3A_188 = tpu.memref_squeeze %dma_start3A_187 : memref<1x128xi32, #tpu.memory_space<vmem>> -> memref<128xi32, #tpu.memory_space<vmem>>
      %dma_start3A_189 = arith.constant 0 : i32
      %dma_start3A_190 = arith.constant 0 : i32
      %dma_start3A_191 = tpu.memref_slice %arg3[%dma_start3A_189, %dma_start3A_190] : memref<1000000x64xf32, #tpu.memory_space<hbm>> -> memref<1000000x64xf32, #tpu.memory_space<hbm>>
      tpu.enqueue_indirect_dma source(%dma_start3A_191 : memref<1000000x64xf32, #tpu.memory_space<hbm>>) target(%dma_start3A_185 : memref<128x64xf32, #tpu.memory_space<vmem>>) offsets(%dma_start3A_188 : memref<128xi32, #tpu.memory_space<vmem>>) semaphore(%arg7 : memref<!tpu.dma_semaphore, #tpu.memory_space<semaphore_mem>>)
      %mul3A_192 = arith.constant 4 : i32
      %mul3A_193 = arith.muli %add3A_171, %mul3A_192 : i32
      %add3A_194 = arith.constant 1 : i32
      %add3A_195 = arith.addi %mul3A_193, %add3A_194 : i32
      %dma_start3A_196 = arith.constant 5 : i32
      %dma_start3A_197 = arith.constant 0 : i32
      %dma_start3A_198 = arith.constant 0 : i32
      %dma_start3A_199 = tpu.memref_slice %arg6[%dma_start3A_196, %dma_start3A_197, %dma_start3A_198] : memref<8x128x64xf32, #tpu.memory_space<vmem>> -> memref<1x128x64xf32, #tpu.memory_space<vmem>>
      %dma_start3A_200 = tpu.memref_squeeze %dma_start3A_199 : memref<1x128x64xf32, #tpu.memory_space<vmem>> -> memref<128x64xf32, #tpu.memory_space<vmem>>
      %dma_start3A_201 = arith.constant 0 : i32
      %dma_start3A_202 = tpu.memref_slice %arg5[%add3A_195, %dma_start3A_201] : memref<200x128xi32, #tpu.memory_space<vmem>> -> memref<1x128xi32, #tpu.memory_space<vmem>>
      %dma_start3A_203 = tpu.memref_squeeze %dma_start3A_202 : memref<1x128xi32, #tpu.memory_space<vmem>> -> memref<128xi32, #tpu.memory_space<vmem>>
      %dma_start3A_204 = arith.constant 0 : i32
      %dma_start3A_205 = arith.constant 0 : i32
      %dma_start3A_206 = tpu.memref_slice %arg3[%dma_start3A_204, %dma_start3A_205] : memref<1000000x64xf32, #tpu.memory_space<hbm>> -> memref<1000000x64xf32, #tpu.memory_space<hbm>>
      tpu.enqueue_indirect_dma source(%dma_start3A_206 : memref<1000000x64xf32, #tpu.memory_space<hbm>>) target(%dma_start3A_200 : memref<128x64xf32, #tpu.memory_space<vmem>>) offsets(%dma_start3A_203 : memref<128xi32, #tpu.memory_space<vmem>>) semaphore(%arg7 : memref<!tpu.dma_semaphore, #tpu.memory_space<semaphore_mem>>)
      %mul3A_207 = arith.constant 4 : i32
      %mul3A_208 = arith.muli %add3A_171, %mul3A_207 : i32
      %add3A_209 = arith.constant 2 : i32
      %add3A_210 = arith.addi %mul3A_208, %add3A_209 : i32
      %dma_start3A_211 = arith.constant 6 : i32
      %dma_start3A_212 = arith.constant 0 : i32
      %dma_start3A_213 = arith.constant 0 : i32
      %dma_start3A_214 = tpu.memref_slice %arg6[%dma_start3A_211, %dma_start3A_212, %dma_start3A_213] : memref<8x128x64xf32, #tpu.memory_space<vmem>> -> memref<1x128x64xf32, #tpu.memory_space<vmem>>
      %dma_start3A_215 = tpu.memref_squeeze %dma_start3A_214 : memref<1x128x64xf32, #tpu.memory_space<vmem>> -> memref<128x64xf32, #tpu.memory_space<vmem>>
      %dma_start3A_216 = arith.constant 0 : i32
      %dma_start3A_217 = tpu.memref_slice %arg5[%add3A_210, %dma_start3A_216] : memref<200x128xi32, #tpu.memory_space<vmem>> -> memref<1x128xi32, #tpu.memory_space<vmem>>
      %dma_start3A_218 = tpu.memref_squeeze %dma_start3A_217 : memref<1x128xi32, #tpu.memory_space<vmem>> -> memref<128xi32, #tpu.memory_space<vmem>>
      %dma_start3A_219 = arith.constant 0 : i32
      %dma_start3A_220 = arith.constant 0 : i32
      %dma_start3A_221 = tpu.memref_slice %arg3[%dma_start3A_219, %dma_start3A_220] : memref<1000000x64xf32, #tpu.memory_space<hbm>> -> memref<1000000x64xf32, #tpu.memory_space<hbm>>
      tpu.enqueue_indirect_dma source(%dma_start3A_221 : memref<1000000x64xf32, #tpu.memory_space<hbm>>) target(%dma_start3A_215 : memref<128x64xf32, #tpu.memory_space<vmem>>) offsets(%dma_start3A_218 : memref<128xi32, #tpu.memory_space<vmem>>) semaphore(%arg7 : memref<!tpu.dma_semaphore, #tpu.memory_space<semaphore_mem>>)
      %mul3A_222 = arith.constant 4 : i32
      %mul3A_223 = arith.muli %add3A_171, %mul3A_222 : i32
      %add3A_224 = arith.constant 3 : i32
      %add3A_225 = arith.addi %mul3A_223, %add3A_224 : i32
      %dma_start3A_226 = arith.constant 7 : i32
      %dma_start3A_227 = arith.constant 0 : i32
      %dma_start3A_228 = arith.constant 0 : i32
      %dma_start3A_229 = tpu.memref_slice %arg6[%dma_start3A_226, %dma_start3A_227, %dma_start3A_228] : memref<8x128x64xf32, #tpu.memory_space<vmem>> -> memref<1x128x64xf32, #tpu.memory_space<vmem>>
      %dma_start3A_230 = tpu.memref_squeeze %dma_start3A_229 : memref<1x128x64xf32, #tpu.memory_space<vmem>> -> memref<128x64xf32, #tpu.memory_space<vmem>>
      %dma_start3A_231 = arith.constant 0 : i32
      %dma_start3A_232 = tpu.memref_slice %arg5[%add3A_225, %dma_start3A_231] : memref<200x128xi32, #tpu.memory_space<vmem>> -> memref<1x128xi32, #tpu.memory_space<vmem>>
      %dma_start3A_233 = tpu.memref_squeeze %dma_start3A_232 : memref<1x128xi32, #tpu.memory_space<vmem>> -> memref<128xi32, #tpu.memory_space<vmem>>
      %dma_start3A_234 = arith.constant 0 : i32
      %dma_start3A_235 = arith.constant 0 : i32
      %dma_start3A_236 = tpu.memref_slice %arg3[%dma_start3A_234, %dma_start3A_235] : memref<1000000x64xf32, #tpu.memory_space<hbm>> -> memref<1000000x64xf32, #tpu.memory_space<hbm>>
      tpu.enqueue_indirect_dma source(%dma_start3A_236 : memref<1000000x64xf32, #tpu.memory_space<hbm>>) target(%dma_start3A_230 : memref<128x64xf32, #tpu.memory_space<vmem>>) offsets(%dma_start3A_233 : memref<128xi32, #tpu.memory_space<vmem>>) semaphore(%arg7 : memref<!tpu.dma_semaphore, #tpu.memory_space<semaphore_mem>>)
      %dma_wait3A_237 = arith.constant 0 : i32
      %dma_wait3A_238 = arith.constant 4 : i32
      %dma_wait3A_239 = arith.constant 0 : i32
      %dma_wait3A_240 = arith.constant 0 : i32
      %dma_wait3A_241 = tpu.memref_slice %arg6[%dma_wait3A_238, %dma_wait3A_239, %dma_wait3A_240] : memref<8x128x64xf32, #tpu.memory_space<vmem>> -> memref<1x128x64xf32, #tpu.memory_space<vmem>>
      %dma_wait3A_242 = tpu.memref_squeeze %dma_wait3A_241 : memref<1x128x64xf32, #tpu.memory_space<vmem>> -> memref<128x64xf32, #tpu.memory_space<vmem>>
      %dma_wait3A_243 = arith.constant 0 : i32
      %dma_wait3A_244 = tpu.memref_slice %arg5[%dma_wait3A_237, %dma_wait3A_243] : memref<200x128xi32, #tpu.memory_space<vmem>> -> memref<1x128xi32, #tpu.memory_space<vmem>>
      %dma_wait3A_245 = tpu.memref_squeeze %dma_wait3A_244 : memref<1x128xi32, #tpu.memory_space<vmem>> -> memref<128xi32, #tpu.memory_space<vmem>>
      %dma_wait3A_246 = arith.constant 0 : i32
      %dma_wait3A_247 = arith.constant 0 : i32
      %dma_wait3A_248 = tpu.memref_slice %arg3[%dma_wait3A_246, %dma_wait3A_247] : memref<1000000x64xf32, #tpu.memory_space<hbm>> -> memref<1000000x64xf32, #tpu.memory_space<hbm>>
      tpu.wait_indirect_dma semaphore(%arg7 : memref<!tpu.dma_semaphore, #tpu.memory_space<semaphore_mem>>) src(%dma_wait3A_248 : memref<1000000x64xf32, #tpu.memory_space<hbm>>) dst(%dma_wait3A_242 : memref<128x64xf32, #tpu.memory_space<vmem>>)
      %dma_wait3A_249 = arith.constant 0 : i32
      %dma_wait3A_250 = arith.constant 4 : i32
      %dma_wait3A_251 = arith.constant 0 : i32
      %dma_wait3A_252 = arith.constant 0 : i32
      %dma_wait3A_253 = tpu.memref_slice %arg6[%dma_wait3A_250, %dma_wait3A_251, %dma_wait3A_252] : memref<8x128x64xf32, #tpu.memory_space<vmem>> -> memref<1x128x64xf32, #tpu.memory_space<vmem>>
      %dma_wait3A_254 = tpu.memref_squeeze %dma_wait3A_253 : memref<1x128x64xf32, #tpu.memory_space<vmem>> -> memref<128x64xf32, #tpu.memory_space<vmem>>
      %dma_wait3A_255 = arith.constant 0 : i32
      %dma_wait3A_256 = tpu.memref_slice %arg5[%dma_wait3A_249, %dma_wait3A_255] : memref<200x128xi32, #tpu.memory_space<vmem>> -> memref<1x128xi32, #tpu.memory_space<vmem>>
      %dma_wait3A_257 = tpu.memref_squeeze %dma_wait3A_256 : memref<1x128xi32, #tpu.memory_space<vmem>> -> memref<128xi32, #tpu.memory_space<vmem>>
      %dma_wait3A_258 = arith.constant 0 : i32
      %dma_wait3A_259 = arith.constant 0 : i32
      %dma_wait3A_260 = tpu.memref_slice %arg3[%dma_wait3A_258, %dma_wait3A_259] : memref<1000000x64xf32, #tpu.memory_space<hbm>> -> memref<1000000x64xf32, #tpu.memory_space<hbm>>
      tpu.wait_indirect_dma semaphore(%arg7 : memref<!tpu.dma_semaphore, #tpu.memory_space<semaphore_mem>>) src(%dma_wait3A_260 : memref<1000000x64xf32, #tpu.memory_space<hbm>>) dst(%dma_wait3A_254 : memref<128x64xf32, #tpu.memory_space<vmem>>)
      %dma_wait3A_261 = arith.constant 0 : i32
      %dma_wait3A_262 = arith.constant 4 : i32
      %dma_wait3A_263 = arith.constant 0 : i32
      %dma_wait3A_264 = arith.constant 0 : i32
      %dma_wait3A_265 = tpu.memref_slice %arg6[%dma_wait3A_262, %dma_wait3A_263, %dma_wait3A_264] : memref<8x128x64xf32, #tpu.memory_space<vmem>> -> memref<1x128x64xf32, #tpu.memory_space<vmem>>
      %dma_wait3A_266 = tpu.memref_squeeze %dma_wait3A_265 : memref<1x128x64xf32, #tpu.memory_space<vmem>> -> memref<128x64xf32, #tpu.memory_space<vmem>>
      %dma_wait3A_267 = arith.constant 0 : i32
      %dma_wait3A_268 = tpu.memref_slice %arg5[%dma_wait3A_261, %dma_wait3A_267] : memref<200x128xi32, #tpu.memory_space<vmem>> -> memref<1x128xi32, #tpu.memory_space<vmem>>
      %dma_wait3A_269 = tpu.memref_squeeze %dma_wait3A_268 : memref<1x128xi32, #tpu.memory_space<vmem>> -> memref<128xi32, #tpu.memory_space<vmem>>
      %dma_wait3A_270 = arith.constant 0 : i32
      %dma_wait3A_271 = arith.constant 0 : i32
      %dma_wait3A_272 = tpu.memref_slice %arg3[%dma_wait3A_270, %dma_wait3A_271] : memref<1000000x64xf32, #tpu.memory_space<hbm>> -> memref<1000000x64xf32, #tpu.memory_space<hbm>>
      tpu.wait_indirect_dma semaphore(%arg7 : memref<!tpu.dma_semaphore, #tpu.memory_space<semaphore_mem>>) src(%dma_wait3A_272 : memref<1000000x64xf32, #tpu.memory_space<hbm>>) dst(%dma_wait3A_266 : memref<128x64xf32, #tpu.memory_space<vmem>>)
      %dma_wait3A_273 = arith.constant 0 : i32
      %dma_wait3A_274 = arith.constant 4 : i32
      %dma_wait3A_275 = arith.constant 0 : i32
      %dma_wait3A_276 = arith.constant 0 : i32
      %dma_wait3A_277 = tpu.memref_slice %arg6[%dma_wait3A_274, %dma_wait3A_275, %dma_wait3A_276] : memref<8x128x64xf32, #tpu.memory_space<vmem>> -> memref<1x128x64xf32, #tpu.memory_space<vmem>>
      %dma_wait3A_278 = tpu.memref_squeeze %dma_wait3A_277 : memref<1x128x64xf32, #tpu.memory_space<vmem>> -> memref<128x64xf32, #tpu.memory_space<vmem>>
      %dma_wait3A_279 = arith.constant 0 : i32
      %dma_wait3A_280 = tpu.memref_slice %arg5[%dma_wait3A_273, %dma_wait3A_279] : memref<200x128xi32, #tpu.memory_space<vmem>> -> memref<1x128xi32, #tpu.memory_space<vmem>>
      %dma_wait3A_281 = tpu.memref_squeeze %dma_wait3A_280 : memref<1x128xi32, #tpu.memory_space<vmem>> -> memref<128xi32, #tpu.memory_space<vmem>>
      %dma_wait3A_282 = arith.constant 0 : i32
      %dma_wait3A_283 = arith.constant 0 : i32
      %dma_wait3A_284 = tpu.memref_slice %arg3[%dma_wait3A_282, %dma_wait3A_283] : memref<1000000x64xf32, #tpu.memory_space<hbm>> -> memref<1000000x64xf32, #tpu.memory_space<hbm>>
      tpu.wait_indirect_dma semaphore(%arg7 : memref<!tpu.dma_semaphore, #tpu.memory_space<semaphore_mem>>) src(%dma_wait3A_284 : memref<1000000x64xf32, #tpu.memory_space<hbm>>) dst(%dma_wait3A_278 : memref<128x64xf32, #tpu.memory_space<vmem>>)
      %mul3A_285 = arith.constant 4 : i32
      %mul3A_286 = arith.muli %add3A_171, %mul3A_285 : i32
      %add3A_287 = arith.addi %mul3A_4, %mul3A_286 : i32
      %dma_start3A_288 = arith.constant 4 : i32
      %dma_start3A_289 = arith.constant 0 : i32
      %dma_start3A_290 = arith.constant 0 : i32
      %dma_start3A_291 = tpu.memref_slice %arg6[%dma_start3A_288, %dma_start3A_289, %dma_start3A_290] : memref<8x128x64xf32, #tpu.memory_space<vmem>> -> memref<4x128x64xf32, #tpu.memory_space<vmem>>
      %dma_start3A_292 = arith.constant 0 : i32
      %dma_start3A_293 = arith.constant 0 : i32
      %dma_start3A_294 = tpu.memref_slice %arg4[%add3A_287, %dma_start3A_292, %dma_start3A_293] : memref<6400x128x128xf32, #tpu.memory_space<hbm>> -> memref<4x128x64xf32, #tpu.memory_space<hbm>>
      %dma_start3A_295 = arith.constant 0 : i32
      %dma_start3A_296 = arith.constant 0 : i32
      %dma_start3A_297 = tpu.memref_slice %arg4[%add3A_287, %dma_start3A_295, %dma_start3A_296] : memref<6400x128x128xf32, #tpu.memory_space<hbm>> -> memref<4x128x64xf32, #tpu.memory_space<hbm>>
      %dma_start3A_298 = arith.constant 4 : i32
      %dma_start3A_299 = arith.constant 0 : i32
      %dma_start3A_300 = arith.constant 0 : i32
      %dma_start3A_301 = tpu.memref_slice %arg6[%dma_start3A_298, %dma_start3A_299, %dma_start3A_300] : memref<8x128x64xf32, #tpu.memory_space<vmem>> -> memref<4x128x64xf32, #tpu.memory_space<vmem>>
      tpu.enqueue_dma source(%dma_start3A_301 : memref<4x128x64xf32, #tpu.memory_space<vmem>>) target(%dma_start3A_297 : memref<4x128x64xf32, #tpu.memory_space<hbm>>) target_semaphore(%arg8 : memref<!tpu.dma_semaphore, #tpu.memory_space<semaphore_mem>>)
    }
    %scan3A_9 = arith.constant 25 : i32
    %dma_wait3A = arith.constant 0 : i32
    %dma_wait3A_10 = arith.constant 0 : i32
    %dma_wait3A_11 = arith.constant 0 : i32
    %dma_wait3A_12 = tpu.memref_slice %arg6[%dma_wait3A, %dma_wait3A_10, %dma_wait3A_11] : memref<8x128x64xf32, #tpu.memory_space<vmem>> -> memref<4x128x64xf32, #tpu.memory_space<vmem>>
    %dma_wait3A_13 = arith.constant 0 : i32
    %dma_wait3A_14 = arith.constant 0 : i32
    %dma_wait3A_15 = tpu.memref_slice %arg4[%mul3A_4, %dma_wait3A_13, %dma_wait3A_14] : memref<6400x128x128xf32, #tpu.memory_space<hbm>> -> memref<4x128x64xf32, #tpu.memory_space<hbm>>
    %dma_wait3A_16 = arith.constant 0 : i32
    %dma_wait3A_17 = arith.constant 0 : i32
    %dma_wait3A_18 = tpu.memref_slice %arg4[%mul3A_4, %dma_wait3A_16, %dma_wait3A_17] : memref<6400x128x128xf32, #tpu.memory_space<hbm>> -> memref<4x128x64xf32, #tpu.memory_space<hbm>>
    %dma_wait3A_19 = arith.constant 0 : i32
    %dma_wait3A_20 = arith.constant 0 : i32
    %dma_wait3A_21 = arith.constant 0 : i32
    %dma_wait3A_22 = tpu.memref_slice %arg6[%dma_wait3A_19, %dma_wait3A_20, %dma_wait3A_21] : memref<8x128x64xf32, #tpu.memory_space<vmem>> -> memref<4x128x64xf32, #tpu.memory_space<vmem>>
    tpu.wait_dma2 semaphore(%arg8 : memref<!tpu.dma_semaphore, #tpu.memory_space<semaphore_mem>>) src(%dma_wait3A_22 : memref<4x128x64xf32, #tpu.memory_space<vmem>>) dst(%dma_wait3A_18 : memref<4x128x64xf32, #tpu.memory_space<hbm>>)
    %dma_wait3A_23 = arith.constant 4 : i32
    %dma_wait3A_24 = arith.constant 0 : i32
    %dma_wait3A_25 = arith.constant 0 : i32
    %dma_wait3A_26 = tpu.memref_slice %arg6[%dma_wait3A_23, %dma_wait3A_24, %dma_wait3A_25] : memref<8x128x64xf32, #tpu.memory_space<vmem>> -> memref<4x128x64xf32, #tpu.memory_space<vmem>>
    %dma_wait3A_27 = arith.constant 0 : i32
    %dma_wait3A_28 = arith.constant 0 : i32
    %dma_wait3A_29 = tpu.memref_slice %arg4[%mul3A_4, %dma_wait3A_27, %dma_wait3A_28] : memref<6400x128x128xf32, #tpu.memory_space<hbm>> -> memref<4x128x64xf32, #tpu.memory_space<hbm>>
    %dma_wait3A_30 = arith.constant 0 : i32
    %dma_wait3A_31 = arith.constant 0 : i32
    %dma_wait3A_32 = tpu.memref_slice %arg4[%mul3A_4, %dma_wait3A_30, %dma_wait3A_31] : memref<6400x128x128xf32, #tpu.memory_space<hbm>> -> memref<4x128x64xf32, #tpu.memory_space<hbm>>
    %dma_wait3A_33 = arith.constant 4 : i32
    %dma_wait3A_34 = arith.constant 0 : i32
    %dma_wait3A_35 = arith.constant 0 : i32
    %dma_wait3A_36 = tpu.memref_slice %arg6[%dma_wait3A_33, %dma_wait3A_34, %dma_wait3A_35] : memref<8x128x64xf32, #tpu.memory_space<vmem>> -> memref<4x128x64xf32, #tpu.memory_space<vmem>>
    tpu.wait_dma2 semaphore(%arg8 : memref<!tpu.dma_semaphore, #tpu.memory_space<semaphore_mem>>) src(%dma_wait3A_36 : memref<4x128x64xf32, #tpu.memory_space<vmem>>) dst(%dma_wait3A_32 : memref<4x128x64xf32, #tpu.memory_space<hbm>>)
    return
  }
}

</mosaic_0001>

<sc_bundles>
// kernel: _run.3.cloned.1.call-start
scs
__scs_entry_jumppad:
0x0: {  	(pc) =	sbr.rel $0x88, $3  }
0x1: {  	(tag) =	ssettag $0x0;
	lr =	simm.s32 $0x1  }
0x2: {  	[smem:$0x3F9F] =	sst lr;
	_ =	strace $0xD0000000  }
0x3: {  	_ = 	snop  }
0x4: {  	_ = 	snop  }
0x5: {  	_ = 	snop  }
0x6: {  	_ = 	snop  }
0x7: {  	_ = 	snop  }
__scs_overlays_trampoline_lowered:
0x8: {  	[smem:$0x3FAE] =	sst s0  }
0x9: {  	[smem:$0x3FAF] =	sst s1  }
0xa: {  	[smem:$0x3FB0] =	sst s2  }
0xb: {  	[smem:$0x3FB1] =	sst s3  }
0xc: {  	[smem:$0x3FB2] =	sst s4  }
0xd: {  	[smem:$0x3FB3] =	sst s5  }
0xe: {  	[smem:$0x3FB4] =	sst s6  }
0xf: {  	[smem:$0x3FB5] =	sst s7  }
0x10: {  	[smem:$0x3FB6] =	sst s8  }
0x11: {  	[smem:$0x3FB7] =	sst s9;
	s0 =	simm.s32 @!p0 $0x0  }
0x12: {  	s1 =	sld [smem:$0x3F9D];
	s0 =	simm.s32 @p0 $0x1  }
0x13: {  	[smem:$0x3FB8] =	sst s0;
	s0 =	simm.s32 @!p1 $0x0  }
0x14: {  	s2 =	sld [smem:$0x3F9C];
	s0 =	simm.s32 @p1 $0x1  }
0x15: {  	[smem:$0x3FB9] =	sst s0;
	s0 =	simm.s32 @!p2 $0x0  }
0x16: {  	s3 =	sld [smem:$0x3FDB];
	s0 =	simm.s32 @p2 $0x1  }
0x17: {  	s4 =	simm.s32 $0x1BF5;
	[smem:$0x3FBB] =	sst s0  }
0x18: {  	s0 =	sld [smem:$0x3F9E];
	_ =	swait.ge [sflag:s4], $0x0  }
0x19: {  	s7 =	sld [smem:$0x3F9F]  }
0x1a: {  	s8 =	sadd.s32 $0xFFFFE003, lr  }
0x1b: {  	s9 =	sadd.s32 $0xFFFFFEF7, lr;
	s5 =	simm.s32 $0xFFFFFFFF;
	p2 =	slt.u32 s8, $0xFFFFF086  }
0x1c: {  	p1 =	slt.u32 s9, $0xF7A;
	s5 =	simm.s32 @!p2 $0x0  }
0x1d: {  	s5 =	simm.s32 @p1 $0x1;
	p0 =	seq.s32 s7, s2  }
0x1e: {  	s7 =	smul.u32 @!p0 $0xF7A, s2;
	p2 =	seq.s32 @!p0 s5, $0x0  }
0x1f: {  	s9 =	smul.u32 $0xF7A, s1;
	s8 =	simm.s32 @!p0 $0x1BF5;
	p2 =	por !p2, p0  }
0x20: {  	[sflag:s8] =	ssyncset.s32 @!p0 $0xFFFFF086;
	s6 =	sadd.s32 @!p0 s3, s7;
	s7 =	simm.s32 @!p0 $0x108  }
0x21: {  	s3 =	sadd.s32 s3, s9;
	s6 =	sadd.s32 @!p0 $0x88, s6;
	s7 =	simm.s32 @p2 $0x1082  }
0x22: {  	[simem:s7], [sflag:s8] =	dma.local @!p0 [hbm:s6], $0xF7A  }
0x23: {  	s9 =	sor.u32 $0xD0000000, s2;
	s6 =	simm.s32 $0x108;
	_ =	swait.ge @!p0 [sflag:s8], $0x0  }
0x24: {  	s3 =	sadd.s32 $0x88, s3;
	s6 =	simm.s32 @!p1 $0x1082;
	[sflag:s4] =	ssyncset.s32 $0xFFFFF086  }
0x25: {  	[simem:s6], [sflag:s4] =	dma.local [hbm:s3], $0xF7A  }
0x26: {  	[smem:$0x3F9F] =	sst s1;
	(tag) =	ssettag s2;
	_ =	strace s9  }
0x27: {  	s1 =	sld [smem:$0x3FAF]  }
0x28: {  	s2 =	sld [smem:$0x3FB0]  }
0x29: {  	s4 =	sld [smem:$0x3FB2]  }
0x2a: {  	p0 =	seq.s32 s5, $0x0;
	s5 =	sld [smem:$0x3FB3]  }
0x2b: {  	s6 =	sld [smem:$0x3FB4]  }
0x2c: {  	s7 =	sld [smem:$0x3FB5]  }
0x2d: {  	s3 =	simm.s32 $0x108;
	s8 =	sld [smem:$0x3FB6]  }
0x2e: {  	s3 =	simm.s32 @!p0 $0x1082;
	s9 =	sld [smem:$0x3FB7]  }
0x2f: {  	lr =	sadd.s32 s0, s3;
	s0 =	sld [smem:$0x3FAE]  }
0x30: {  	s3 =	sld [smem:$0x3FB1]  }
0x31: {  	[smem:$0x3FBA] =	sst s10  }
0x32: {  	s10 =	sld [smem:$0x3FB8];
	_ =	sdelay $0x3  }
0x33: {  	p0 =	seq.s32 s10, $0x1;
	s10 =	sld [smem:$0x3FBA];
	_ =	sdelay $0x3  }
0x34: {  	[smem:$0x3FBA] =	sst s10  }
0x35: {  	s10 =	sld [smem:$0x3FB9];
	_ =	sdelay $0x3  }
0x36: {  	p1 =	seq.s32 s10, $0x1;
	s10 =	sld [smem:$0x3FBA];
	_ =	sdelay $0x3  }
0x37: {  	[smem:$0x3FBA] =	sst s10  }
0x38: {  	s10 =	sld [smem:$0x3FBB]  }
0x39: {  	_ = 	snop;
	(pc) =	sbr.ind lr, $3  }
0x3a: {  	_ = 	snop  }
0x3b: {  	_ = 	snop  }
0x3c: {  	p2 =	seq.s32 s10, $0x1;
	s10 =	sld [smem:$0x3FBA]  }
0x3d: {  	_ =	shalt  }
0x3e: {  	_ =	shalt  }
0x3f: {  	_ =	shalt  }
0x40: {  	_ =	shalt  }
0x41: {  	_ =	shalt  }
0x42: {  	_ =	shalt  }
0x43: {  	_ =	shalt  }
0x44: {  	_ =	shalt  }
0x45: {  	_ =	shalt  }
0x46: {  	_ =	shalt  }
0x47: {  	_ =	shalt  }
0x48: {  	_ =	shalt  }
0x49: {  	_ =	shalt  }
0x4a: {  	_ =	shalt  }
0x4b: {  	_ =	shalt  }
0x4c: {  	_ =	shalt  }
0x4d: {  	_ =	shalt  }
0x4e: {  	_ =	shalt  }
0x4f: {  	_ =	shalt  }
0x50: {  	_ =	shalt  }
0x51: {  	_ =	shalt  }
0x52: {  	_ =	shalt  }
0x53: {  	_ =	shalt  }
0x54: {  	_ =	shalt  }
0x55: {  	_ =	shalt  }
0x56: {  	_ =	shalt  }
0x57: {  	_ =	shalt  }
0x58: {  	_ =	shalt  }
0x59: {  	_ =	shalt  }
0x5a: {  	_ =	shalt  }
0x5b: {  	_ =	shalt  }
0x5c: {  	_ =	shalt  }
0x5d: {  	_ =	shalt  }
0x5e: {  	_ =	shalt  }
0x5f: {  	_ =	shalt  }
0x60: {  	_ =	shalt  }
0x61: {  	_ =	shalt  }
0x62: {  	_ =	shalt  }
0x63: {  	_ =	shalt  }
0x64: {  	_ =	shalt  }
0x65: {  	_ =	shalt  }
0x66: {  	_ =	shalt  }
0x67: {  	_ =	shalt  }
0x68: {  	_ =	shalt  }
0x69: {  	_ =	shalt  }
0x6a: {  	_ =	shalt  }
0x6b: {  	_ =	shalt  }
0x6c: {  	_ =	shalt  }
0x6d: {  	_ =	shalt  }
0x6e: {  	_ =	shalt  }
0x6f: {  	_ =	shalt  }
0x70: {  	_ =	shalt  }
0x71: {  	_ =	shalt  }
0x72: {  	_ =	shalt  }
0x73: {  	_ =	shalt  }
0x74: {  	_ =	shalt  }
0x75: {  	_ =	shalt  }
0x76: {  	_ =	shalt  }
0x77: {  	_ =	shalt  }
0x78: {  	_ =	shalt  }
0x79: {  	_ =	shalt  }
0x7a: {  	_ =	shalt  }
0x7b: {  	_ =	shalt  }
0x7c: {  	_ =	shalt  }
0x7d: {  	_ =	shalt  }
0x7e: {  	_ =	shalt  }
0x7f: {  	_ =	shalt  }
0x80: {  	_ =	shalt  }
0x81: {  	_ =	shalt  }
0x82: {  	_ =	shalt  }
0x83: {  	_ =	shalt  }
0x84: {  	_ =	shalt  }
0x85: {  	_ =	shalt  }
0x86: {  	_ =	shalt  }
0x87: {  	_ =	shalt  }
.Lfunc_end0:
.L_simem_size_0:
called_computation_lowered:
.L_overlay_start_0:
0x88: {  	s2 =	sld [smem:$0x3FD9]  }
0x89: {  	s3 =	sld [smem:$0x3FFE];
	_ =	sdelay $0x1  }
0x8a: {  	s1 =	srdreg.scid  }
0x8b: {  	s0 =	sand.u32 $0x1, s1  }
0x8c: {  	s17 =	sshll.u32 s0, $0xA;
	s2 =	sadd.s32 s3, s2  }
0x8d: {  	s2 =	sadd.s32 s2, s17  }
0x8e: {  	[smem:$0x3FC6] =	sst s2  }
0x8f: {  	_ = 	snop  }
0x90: {  	s2 =	sld [smem:$0x3FD0];
	(tm) =	ssettm $0x1  }
0x91: {  	s18 =	sld [smem:$0x3FFB];
	_ =	sdelay $0x3  }
0x92: {  	_ =	strace s18  }
0x93: {  	s3 =	sld [smem:$0x3FFC];
	_ =	sdelay $0x3  }
0x94: {  	_ =	strace s3  }
0x95: {  	s3 =	sld [smem:$0x3FFD];
	_ =	sdelay $0x3  }
0x96: {  	_ =	strace s3  }
0x97: {  	_ =	strace $0x8FFFFFFF  }
0x98: {  	s19 =	sld [smem:$0x3FDB];
	_ =	sdelay $0x1  }
0x99: {  	s4 =	simm.s32 $_scs_section_size  }
0x9a: {  	s5 =	simm.s32 $_size__tile_overlayer_lowered;
	s6 =	simm.s32 $_tile_overlayer_lowered  }
0x9b: {  	s22 =	simm.s32 $0x1BFF;
	s21 =	sshll.u32 s6, $0x1;
	s3 =	sadd.s32 s4, s19  }
0x9c: {  	s7 =	simm.s32 $0x0;
	s20 =	sshll.u32 s5, $0x1;
	s5 =	sadd.s32 s21, s3  }
0x9d: {  	[timem:s7], [sflag:s22] =	dma.local [hbm:s5], s20  }
0x9e: {  	_ =	swait.ge [sflag:s22], s20  }
0x9f: {  	s4 =	ssub.s32 $0x0, s20;
	[sflag:s22] =	ssyncset.done $0x0  }
0xa0: {  	[sflag:s22] =	ssyncadd.s32 s4;
	_ =	sdelay $0x1  }
0xa1: {  	s23 =	simm.s32 $0x1B8B  }
0xa2: {  	_ =	swait.ge [sflag:s23], $0x1  }
0xa3: {  	[sflag:s23] =	ssyncset.done $0x0  }
0xa4: {  	s25 =	simm.s32 $0x1B8E;
	s24 =	sld [smem:$0x3FFE];
	[sflag:s23] =	ssyncadd.s32 $0xFFFFFFFF  }
0xa5: {  	s26 =	simm.s32 $execute0_lowered;
	[smem:$0x3FD2] =	sst s25  }
0xa6: {  	s5 =	sshll.u32 s26, $0x1;
	_ =	strace $0x80000046;
	[dreg:$0x1] =	wrdreg $0xFFFFFFFF  }
0xa7: {  	s28 =	simm.s32 $_size_execute0_lowered;
	s3 =	sadd.s32 s3, s5;
	[dreg:$0x0] =	wrdreg $0x0  }
0xa8: {  	s5 =	sshll.u32 s28, $0x1;
	[dreg:$0x2] =	wrdreg s3  }
0xa9: {  	[dreg:$0x3] =	wrdreg s5  }
0xaa: {  	[dreg:$0x4] =	wrdreg $0xC0  }
0xab: {  	_ =	task [dreg:s7], $0x5FFFF  }
0xac: {  	[dreg:$0x1] =	wrdreg $0xFFFFFFFF  }
0xad: {  	[dreg:$0x0] =	wrdreg $0x60  }
0xae: {  	[dreg:$0x2] =	wrdreg s24  }
0xaf: {  	[dreg:$0x3] =	wrdreg s2  }
0xb0: {  	[dreg:$0x4] =	wrdreg $0x9  }
0xb1: {  	_ =	task.clear_ibuf [dreg:s7], $0x5FFFF;
	_ =	strace $0x90000046  }
0xb2: {  	s29 =	simm.s32 $0x9;
	_ =	strace $0x80000048  }
0xb3: {  	_ =	swait.ge [sflag:s29], $0x1  }
0xb4: {  	[sflag:s29] =	ssyncadd.s32 $0xFFFFFFFF  }
0xb5: {  	_ =	strace $0x90000048  }
0xb6: {  	_ =	sfence  }
0xb7: {  	s30 =	sld [smem:$0x0];
	_ =	sdelay $0x2  }
0xb8: {  	s31 =	sshll.u32 s1, $0xD;
	s1 =	sshrl.u32 s1, $0x2  }
0xb9: {  	s3 =	sand.u32 $0x4000, s31;
	s1 =	sadd.s32 s1, s30  }
0xba: {  	s0 =	sor.u32 s3, s0;
	s1 =	sshll.u32 s1, $0x11  }
0xbb: {  	s0 =	sor.u32 s1, s0  }
0xbc: {  	s0 =	sadd.s32 $0x8F2B, s0  }
0xbd: {  	[sflag:s0] =	ssyncadd.remote.s32 $0x1  }
0xbe: {  	_ =	sfence.sel $0xFFFF  }
0xbf: {  	[dreg:$0x0] =	wrdreg $0xFFFFFFFF;
	(pc) =	sbr.abs _section_cstart, $3  }
0xc0: {  	[dreg:$0x1] =	wrdreg $0xFFFFFFFF  }
0xc1: {  	_ =	task.clear_ibuf [dreg:s7], $0x2FFFF;
	_ =	strace $0x9FFFFFFF  }
0xc2: {  	(tm) =	ssettm $0x7FFFFFFF  }
0xc3: {  	_ =	shalt  }
tec
execute0_lowered:
.L_overlay_start_1:
0x0: {  	(tag) =	ssettag $0x1  }
0x1: {  	s0 =	srdreg.scid;
	s4 =	rddreg [dreg:$0x0]  }
0x2: {  	s10 =	stileid.u32;
	s2 =	rddreg [dreg:$0x1];
	s3 =	simm.s32 $0x0  }
0x3: {  	s12 =	simm.s32 $0x80;
	s13 =	simm.s32 $0x6400;
	s14 =	simm.s32 $0x8400  }
0x4: {  	s16 =	simm.s32 $0xA400;
	s18 =	simm.s32 $0xC400;
	s19 =	simm.s32 $0x1  }
0x5: {  	s20 =	simm.s32 $0x40;
	s22 =	simm.s32 $0xE400;
	s8 =	smul.u32 $0x640000, s10  }
0x6: {  	s0 =	sand.u32 $0x1, s0;
	s1 =	sshll.u32 s10, $0x1;
	s10 =	smul.u32 $0x190, s10  }
0x7: {  	s24 =	simm.s32 $0x10400;
	s28 =	simm.s32 $0x380;
	s25 =	smul.u32 $0xC8, s0  }
0x8: {  	s1 =	sor.u32 s0, s1;
	s7 =	ssub.s32 $0x2, s0;
	s0 =	smul.u32 $0x320000, s0  }
0x9: {  	s29 =	simm.s32 $0x14400;
	s30 =	simm.s32 $0x2;
	s5 =	smul.u32 $0xC80, s1  }
0xa: {  	s31 =	simm.s32 $0x0;
	[smem:$0x7FF] =	sst s3;
	s6 =	smul.u32 $0x320000, s1  }
0xb: {  	_ =	strace $0x80000047;
	s1 =	smul.u32 $0x64000, s1;
	s9 =	sshrl.u32 s7, $0x1  }
0xc: {  	s7 =	ssub.s32 s7, s9;
	s9 =	sadd.s32 s25, s10;
	s0 =	sadd.s32 s0, s8  }
0xd: {  	s25 =	simm.s32 $0x300;
	s5 =	sadd.s32 s5, s4;
	s4 =	sadd.s32 $0xF42A00, s4  }
0xe: {  	s11 =	sshrl.u32 s6, $0x3;
	s6 =	smax.u32 s7, $0x1;
	s1 =	sadd.s32 s1, s2  }
0xf: {  	s10 =	sshll.u32 s9, $0xB;
	s9 =	sadd.s32 $0x20000, s0;
	s5 =	sadd.s32 $0x600, s5  }
0x10: {  	s7 =	sadd.s32 s2, s11;
	s8 =	sadd.s32 $0x2000, s1;
	s26 =	sadd.s32 s2, s10  }
0x11: {  	s11 =	simm.s32 $0x3;
	s17 =	sadd.s32 $0x6000, s26;
	s26 =	simm.s32 $0x12400  }
.LBB2_1:
0x12: {  	[tilespmem:s3], [sflag:$0x3] =	stream.linear.gather [hbm4b:s5+s3], $0x6400, $0x38;
	[tilespmem:$0x16400] =	vst v63  }
0x13: {  	_ =	swait.ge [sflag:s11], $0x6400  }
0x14: {  	[sflag:s11] =	ssyncset.done $0x0  }
0x15: {  	[sflag:s11] =	ssyncadd.s32 $0xFFFF9C00  }
0x16: {  	[tilespmem:s13], [sflag:$0x1] =	stream.indirect.gather [hbm4b:s4+s12], $0x40, s3, s12, $0xb8;
	[tilespmem:$0x16400] =	vst v63  }
0x17: {  	_ = 	snop  }
0x18: {  	[tilespmem:s14], [sflag:$0x1] =	stream.indirect.gather [hbm4b:s4+s12], $0x40, s12, s12, $0xb8;
	[tilespmem:$0x16400] =	vst v63  }
0x19: {  	s0 =	simm.s32 $0x100  }
0x1a: {  	[tilespmem:s16], [sflag:$0x1] =	stream.indirect.gather [hbm4b:s4+s12], $0x40, s0, s12, $0xb8;
	[tilespmem:$0x16400] =	vst v63  }
0x1b: {  	s21 =	simm.s32 $0x180  }
0x1c: {  	[tilespmem:s18], [sflag:$0x1] =	stream.indirect.gather [hbm4b:s4+s12], $0x40, s21, s12, $0xb8;
	[tilespmem:$0x16400] =	vst v63  }
0x1d: {  	_ =	swait.ge [sflag:s19], $0x2000  }
0x1e: {  	[sflag:s19] =	ssyncset.done $0x0  }
0x1f: {  	[sflag:s19] =	ssyncadd.s32 $0xFFFFE000  }
0x20: {  	_ =	swait.ge [sflag:s19], $0x2000  }
0x21: {  	[sflag:s19] =	ssyncset.done $0x0  }
0x22: {  	[sflag:s19] =	ssyncadd.s32 $0xFFFFE000  }
0x23: {  	_ =	swait.ge [sflag:s19], $0x2000  }
0x24: {  	[sflag:s19] =	ssyncset.done $0x0  }
0x25: {  	[sflag:s19] =	ssyncadd.s32 $0xFFFFE000  }
0x26: {  	_ =	swait.ge [sflag:s19], $0x2000  }
0x27: {  	[sflag:s19] =	ssyncset.done $0x0  }
0x28: {  	[sflag:s19] =	ssyncadd.s32 $0xFFFFE000  }
0x29: {  	[hbm4b:s7+s20] =	stream.strided.scatter [tilespmem:s13], [sflag:$0x2], $0x8000, s12, s20, $0x38;
	[tilespmem:$0x16400] =	vst v63  }
0x2a: {  	s23 =	simm.s32 $0x200  }
0x2b: {  	[tilespmem:s22], [sflag:$0x1] =	stream.indirect.gather [hbm4b:s4+s12], $0x40, s23, s12, $0xb8;
	[tilespmem:$0x16400] =	vst v63  }
0x2c: {  	s1 =	simm.s32 $0x280  }
0x2d: {  	[tilespmem:s24], [sflag:$0x1] =	stream.indirect.gather [hbm4b:s4+s12], $0x40, s1, s12, $0xb8;
	[tilespmem:$0x16400] =	vst v63  }
0x2e: {  	_ = 	snop  }
0x2f: {  	[tilespmem:s26], [sflag:$0x1] =	stream.indirect.gather [hbm4b:s4+s12], $0x40, s25, s12, $0xb8;
	[tilespmem:$0x16400] =	vst v63  }
0x30: {  	_ = 	snop  }
0x31: {  	[tilespmem:s29], [sflag:$0x1] =	stream.indirect.gather [hbm4b:s4+s12], $0x40, s28, s12, $0xb8;
	[tilespmem:$0x16400] =	vst v63  }
0x32: {  	_ =	swait.ge [sflag:s19], $0x2000  }
0x33: {  	[sflag:s19] =	ssyncset.done $0x0  }
0x34: {  	[sflag:s19] =	ssyncadd.s32 $0xFFFFE000  }
0x35: {  	_ =	swait.ge [sflag:s19], $0x2000  }
0x36: {  	[sflag:s19] =	ssyncset.done $0x0  }
0x37: {  	[sflag:s19] =	ssyncadd.s32 $0xFFFFE000  }
0x38: {  	_ =	swait.ge [sflag:s19], $0x2000  }
0x39: {  	[sflag:s19] =	ssyncset.done $0x0  }
0x3a: {  	[sflag:s19] =	ssyncadd.s32 $0xFFFFE000  }
0x3b: {  	_ =	swait.ge [sflag:s19], $0x2000  }
0x3c: {  	[sflag:s19] =	ssyncset.done $0x0  }
0x3d: {  	[sflag:s19] =	ssyncadd.s32 $0xFFFFE000  }
0x3e: {  	[hbm4b:s8+s20] =	stream.strided.scatter [tilespmem:s22], [sflag:$0x2], $0x8000, s12, s20, $0x38;
	[tilespmem:$0x16400] =	vst v63  }
0x3f: {  	_ =	swait.ge [sflag:s30], $0x8000  }
0x40: {  	[sflag:s30] =	ssyncset.done $0x0  }
0x41: {  	s10 =	simm.s32 $0x400;
	[sflag:s30] =	ssyncadd.s32 $0xFFFF8000  }
0x42: {  	[tilespmem:s13], [sflag:$0x1] =	stream.indirect.gather [hbm4b:s4+s12], $0x40, s10, s12, $0xb8;
	[tilespmem:$0x16400] =	vst v63  }
0x43: {  	s15 =	simm.s32 $0x480  }
0x44: {  	[tilespmem:s14], [sflag:$0x1] =	stream.indirect.gather [hbm4b:s4+s12], $0x40, s15, s12, $0xb8;
	[tilespmem:$0x16400] =	vst v63  }
0x45: {  	s21 =	simm.s32 $0x500  }
0x46: {  	[tilespmem:s16], [sflag:$0x1] =	stream.indirect.gather [hbm4b:s4+s12], $0x40, s21, s12, $0xb8;
	[tilespmem:$0x16400] =	vst v63  }
0x47: {  	s23 =	simm.s32 $0x580  }
0x48: {  	[tilespmem:s18], [sflag:$0x1] =	stream.indirect.gather [hbm4b:s4+s12], $0x40, s23, s12, $0xb8;
	[tilespmem:$0x16400] =	vst v63  }
0x49: {  	_ =	swait.ge [sflag:s19], $0x2000  }
0x4a: {  	[sflag:s19] =	ssyncset.done $0x0  }
0x4b: {  	[sflag:s19] =	ssyncadd.s32 $0xFFFFE000  }
0x4c: {  	_ =	swait.ge [sflag:s19], $0x2000  }
0x4d: {  	[sflag:s19] =	ssyncset.done $0x0  }
0x4e: {  	[sflag:s19] =	ssyncadd.s32 $0xFFFFE000  }
0x4f: {  	_ =	swait.ge [sflag:s19], $0x2000  }
0x50: {  	[sflag:s19] =	ssyncset.done $0x0  }
0x51: {  	[sflag:s19] =	ssyncadd.s32 $0xFFFFE000  }
0x52: {  	_ =	swait.ge [sflag:s19], $0x2000  }
0x53: {  	s1 =	sshrl.u32 s9, $0x3;
	[sflag:s19] =	ssyncset.done $0x0  }
0x54: {  	s0 =	sadd.s32 s2, s1;
	[sflag:s19] =	ssyncadd.s32 $0xFFFFE000  }
0x55: {  	[hbm4b:s0+s20] =	stream.strided.scatter [tilespmem:s13], [sflag:$0x2], $0x8000, s12, s20, $0x38;
	[tilespmem:$0x16400] =	vst v63  }
0x56: {  	_ =	swait.ge [sflag:s30], $0x8000  }
0x57: {  	[sflag:s30] =	ssyncset.done $0x0  }
0x58: {  	s10 =	simm.s32 $0x600;
	[sflag:s30] =	ssyncadd.s32 $0xFFFF8000  }
0x59: {  	[tilespmem:s22], [sflag:$0x1] =	stream.indirect.gather [hbm4b:s4+s12], $0x40, s10, s12, $0xb8;
	[tilespmem:$0x16400] =	vst v63  }
0x5a: {  	s15 =	simm.s32 $0x680  }
0x5b: {  	[tilespmem:s24], [sflag:$0x1] =	stream.indirect.gather [hbm4b:s4+s12], $0x40, s15, s12, $0xb8;
	[tilespmem:$0x16400] =	vst v63  }
0x5c: {  	s21 =	simm.s32 $0x700  }
0x5d: {  	[tilespmem:s26], [sflag:$0x1] =	stream.indirect.gather [hbm4b:s4+s12], $0x40, s21, s12, $0xb8;
	[tilespmem:$0x16400] =	vst v63  }
0x5e: {  	s23 =	simm.s32 $0x780  }
0x5f: {  	[tilespmem:s29], [sflag:$0x1] =	stream.indirect.gather [hbm4b:s4+s12], $0x40, s23, s12, $0xb8;
	[tilespmem:$0x16400] =	vst v63  }
0x60: {  	_ =	swait.ge [sflag:s19], $0x2000  }
0x61: {  	[sflag:s19] =	ssyncset.done $0x0  }
0x62: {  	[sflag:s19] =	ssyncadd.s32 $0xFFFFE000  }
0x63: {  	_ =	swait.ge [sflag:s19], $0x2000  }
0x64: {  	[sflag:s19] =	ssyncset.done $0x0  }
0x65: {  	[sflag:s19] =	ssyncadd.s32 $0xFFFFE000  }
0x66: {  	_ =	swait.ge [sflag:s19], $0x2000  }
0x67: {  	[sflag:s19] =	ssyncset.done $0x0  }
0x68: {  	[sflag:s19] =	ssyncadd.s32 $0xFFFFE000  }
0x69: {  	_ =	swait.ge [sflag:s19], $0x2000  }
0x6a: {  	s1 =	simm.s32 $0x1000;
	s0 =	sadd.s32 $0x20000, s9;
	[sflag:s19] =	ssyncset.done $0x0  }
0x6b: {  	s10 =	smov.u32 s17;
	s15 =	sadd.s32 $0x4000, s17;
	[sflag:s19] =	ssyncadd.s32 $0xFFFFE000  }
.LBB2_2:
0x6c: {  	[hbm4b:s10+s20] =	stream.strided.scatter [tilespmem:s22], [sflag:$0x2], $0x8000, s12, s20, $0x38;
	[tilespmem:$0x16400] =	vst v63  }
0x6d: {  	s21 =	smov.u32 s1;
	s10 =	smov.u32 s15  }
0x6e: {  	p0 =	sne.s32 s1, $0x17000;
	s1 =	sadd.s32 $0x1000, s1;
	_ =	swait.ge [sflag:s30], $0x8000  }
0x6f: {  	s21 =	sshra.s32 s21, $0x2;
	[sflag:s30] =	ssyncset.done $0x0  }
0x70: {  	s23 =	sadd.s32 $0x400, s21;
	[sflag:s30] =	ssyncadd.s32 $0xFFFF8000  }
0x71: {  	[tilespmem:s13], [sflag:$0x1] =	stream.indirect.gather [hbm4b:s4+s12], $0x40, s23, s12, $0xb8;
	[tilespmem:$0x16400] =	vst v63  }
0x72: {  	s23 =	sadd.s32 $0x480, s21  }
0x73: {  	[tilespmem:s14], [sflag:$0x1] =	stream.indirect.gather [hbm4b:s4+s12], $0x40, s23, s12, $0xb8;
	[tilespmem:$0x16400] =	vst v63  }
0x74: {  	s23 =	sadd.s32 $0x500, s21  }
0x75: {  	[tilespmem:s16], [sflag:$0x1] =	stream.indirect.gather [hbm4b:s4+s12], $0x40, s23, s12, $0xb8;
	[tilespmem:$0x16400] =	vst v63  }
0x76: {  	s23 =	sadd.s32 $0x580, s21  }
0x77: {  	[tilespmem:s18], [sflag:$0x1] =	stream.indirect.gather [hbm4b:s4+s12], $0x40, s23, s12, $0xb8;
	[tilespmem:$0x16400] =	vst v63  }
0x78: {  	_ =	swait.ge [sflag:s19], $0x2000  }
0x79: {  	[sflag:s19] =	ssyncset.done $0x0  }
0x7a: {  	[sflag:s19] =	ssyncadd.s32 $0xFFFFE000  }
0x7b: {  	_ =	swait.ge [sflag:s19], $0x2000  }
0x7c: {  	[sflag:s19] =	ssyncset.done $0x0  }
0x7d: {  	[sflag:s19] =	ssyncadd.s32 $0xFFFFE000  }
0x7e: {  	_ =	swait.ge [sflag:s19], $0x2000  }
0x7f: {  	[sflag:s19] =	ssyncset.done $0x0  }
0x80: {  	[sflag:s19] =	ssyncadd.s32 $0xFFFFE000  }
0x81: {  	_ =	swait.ge [sflag:s19], $0x2000  }
0x82: {  	s23 =	sshrl.u32 s0, $0x3;
	[sflag:s19] =	ssyncset.done $0x0  }
0x83: {  	s23 =	sadd.s32 s2, s23;
	[sflag:s19] =	ssyncadd.s32 $0xFFFFE000  }
0x84: {  	[hbm4b:s23+s20] =	stream.strided.scatter [tilespmem:s13], [sflag:$0x2], $0x8000, s12, s20, $0x38;
	[tilespmem:$0x16400] =	vst v63  }
0x85: {  	_ =	swait.ge [sflag:s30], $0x8000  }
0x86: {  	[sflag:s30] =	ssyncset.done $0x0  }
0x87: {  	s23 =	sadd.s32 $0x600, s21;
	[sflag:s30] =	ssyncadd.s32 $0xFFFF8000  }
0x88: {  	[tilespmem:s22], [sflag:$0x1] =	stream.indirect.gather [hbm4b:s4+s12], $0x40, s23, s12, $0xb8;
	[tilespmem:$0x16400] =	vst v63  }
0x89: {  	s23 =	sadd.s32 $0x680, s21  }
0x8a: {  	[tilespmem:s24], [sflag:$0x1] =	stream.indirect.gather [hbm4b:s4+s12], $0x40, s23, s12, $0xb8;
	[tilespmem:$0x16400] =	vst v63  }
0x8b: {  	s23 =	sadd.s32 $0x700, s21  }
0x8c: {  	[tilespmem:s26], [sflag:$0x1] =	stream.indirect.gather [hbm4b:s4+s12], $0x40, s23, s12, $0xb8;
	[tilespmem:$0x16400] =	vst v63  }
0x8d: {  	s21 =	sadd.s32 $0x780, s21  }
0x8e: {  	[tilespmem:s29], [sflag:$0x1] =	stream.indirect.gather [hbm4b:s4+s12], $0x40, s21, s12, $0xb8;
	[tilespmem:$0x16400] =	vst v63  }
0x8f: {  	_ =	swait.ge [sflag:s19], $0x2000  }
0x90: {  	[sflag:s19] =	ssyncset.done $0x0  }
0x91: {  	[sflag:s19] =	ssyncadd.s32 $0xFFFFE000  }
0x92: {  	_ =	swait.ge [sflag:s19], $0x2000  }
0x93: {  	[sflag:s19] =	ssyncset.done $0x0  }
0x94: {  	[sflag:s19] =	ssyncadd.s32 $0xFFFFE000  }
0x95: {  	_ =	swait.ge [sflag:s19], $0x2000  }
.Ltmp0:
0x96: {  	[sflag:s19] =	ssyncset.done $0x0;
	(pc) =	sbr.rel @p0 .LBB2_2-.Ltmp0, $4  }
0x97: {  	[sflag:s19] =	ssyncadd.s32 $0xFFFFE000  }
0x98: {  	_ =	swait.ge [sflag:s19], $0x2000  }
0x99: {  	[sflag:s19] =	ssyncset.done $0x0  }
0x9a: {  	s15 =	sadd.s32 $0x4000, s15;
	s0 =	sadd.s32 $0x20000, s0;
	[sflag:s19] =	ssyncadd.s32 $0xFFFFE000  }
0x9b: {  	[hbm4b:s10+s20] =	stream.strided.scatter [tilespmem:s22], [sflag:$0x2], $0x8000, s12, s20, $0x38;
	[tilespmem:$0x16400] =	vst v63  }
0x9c: {  	s31 =	sadd.s32 $0x1, s31  }
0x9d: {  	_ =	swait.ge [sflag:s30], $0x8000;
	p0 =	sne.s32 s31, s6  }
.Ltmp1:
0x9e: {  	[sflag:s30] =	ssyncset.done $0x0;
	(pc) =	sbr.rel @p0 .LBB2_1-.Ltmp1, $4  }
0x9f: {  	[sflag:s30] =	ssyncadd.s32 $0xFFFF8000  }
0xa0: {  	_ =	swait.ge [sflag:s30], $0x8000  }
0xa1: {  	[sflag:s30] =	ssyncset.done $0x0  }
0xa2: {  	[sflag:s30] =	ssyncadd.s32 $0xFFFF8000  }
0xa3: {  	_ =	sfence.sel $0x180000  }
0xa4: {  	[bflag:$0x0] =	sbarrier.arrive $0xFFFF  }
0xa5: {  	_ =	strace $0x90000047  }
0xa6: {  	s0 =	stileid.u32;
	[bflag:$0x2] =	sbarrier.arrive $0xFFFF  }
0xa7: {  	p0 =	sne.s32 s0, $0x0;
	s0 =	rddreg [dreg:$0x2]  }
0xa8: {  	s0 =	sadd.s32 @!p0 $0x100000, s0  }
0xa9: {  	[sflag:s0] =	ssyncadd.tile.s32 @!p0 $0x1;
	_ =	shalt  }
.Lfunc_end2:
_tile_overlayer_lowered:
.L_overlay_start_2:
0xaa: {  	(tag) =	ssettag $0x2  }
0xab: {  	s0 =	rddreg [dreg:$0x0];
	s2 =	stileid.u32  }
0xac: {  	s1 =	rddreg [dreg:$0x1];
	p0 =	sne.s32 s2, $0x0  }
0xad: {  	s3 =	rddreg [dreg:$0x2];
	[bflag:$0x3] =	sbarrier.arrive $0xFFFF;
	s2 =	simm.s32 @!p0 $0x1C03  }
0xae: {  	[timem:s3], [sflag:s2] =	dma.local @!p0 [hbm:s0], s1  }
0xaf: {  	s0 =	simm.s32 @!p0 $0x3  }
0xb0: {  	_ =	swait.ge @!p0 [sflag:s0], s1  }
0xb1: {  	s1 =	ssub.s32 @!p0 $0x0, s1;
	[sflag:s0] =	ssyncset.done @!p0 $0x0  }
0xb2: {  	[sflag:s0] =	ssyncadd.s32 @!p0 s1  }
0xb3: {  	[bflag:$0x3] =	sbarrier.arrive $0xFFFF  }
0xb4: {  	_ =	shalt  }

</sc_bundles>
